<compile_context>
chip_gen: v7x
topology: tpu7x:2x2x1
jax: 0.10.2.dev20260603
libtpu: 0.0.44.dev20260713+nightly
codegen_flags: <defaults>
</compile_context>

<pallas_src>
import functools

import jax
import jax.numpy as jnp
from jax import lax
from jax.experimental import pallas as pl
from jax.experimental.pallas import tpu as pltpu
from jax.experimental.pallas import tpu_sc as plsc


@functools.lru_cache(maxsize=None)
def _build(B, S, D, V, NC, NS):
    NW = NC * NS
    BS = B * S
    assert BS % NW == 0 and S % (BS // NW) == 0 and D % 16 == 0
    b_per_w = BS // NW
    DP = 128
    mesh = plsc.VectorSubcoreMesh(core_axis_name="c", subcore_axis_name="s")

    @functools.partial(
        pl.kernel,
        mesh=mesh,
        out_type=jax.ShapeDtypeStruct((B, D, S), jnp.float32),
        compiler_params=pltpu.CompilerParams(needs_layout_passes=False),
        scratch_types=[
            pltpu.VMEM((b_per_w,), jnp.int32),
            pltpu.VMEM((b_per_w, DP), jnp.float32),
            pltpu.VMEM((D, b_per_w), jnp.float32),
            pltpu.VMEM((D, b_per_w), jnp.float32),
            pltpu.SemaphoreType.DMA,
        ],
    )
    def emb_kernel(x_hbm, table_hbm, posT_hbm, out_hbm,
                   x_v, rows_v, pos_v, outT_v, sem):
        wid = lax.axis_index("s") * NC + lax.axis_index("c")
        base = wid * b_per_w
        b = lax.div(base, S)
        s0 = lax.rem(base, S)
        pltpu.sync_copy(x_hbm.at[pl.ds(base, b_per_w)], x_v)
        gather = pltpu.async_copy(table_hbm.at[x_v], rows_v, sem)
        pltpu.sync_copy(posT_hbm.at[:, pl.ds(s0, b_per_w)], pos_v)
        gather.wait()

        lanes = lax.iota(jnp.int32, 16)

        def repack_d(d, d_splat):
            for t in range(b_per_w // 16):
                sl = pl.ds(t * 16, 16)
                rows = lanes + (t * 16)
                val = plsc.load_gather(rows_v, [rows, d_splat])
                outT_v[d, sl] = val + pos_v[d, sl]
            return d_splat + 1

        lax.fori_loop(0, D, repack_d, jnp.zeros((16,), jnp.int32))
        pltpu.sync_copy(outT_v, out_hbm.at[b, :, pl.ds(s0, b_per_w)])

    return emb_kernel


def kernel(X, tok_embd, pos_embd):
    B, S = X.shape
    V, D = tok_embd.shape
    try:
        info = plsc.get_sparse_core_info()
        NC, NS = info.num_cores, info.num_subcores
    except Exception:
        NC, NS = 2, 16
    fn = _build(B, S, D, V, NC, NS)
    table_p = jnp.pad(tok_embd, ((0, 0), (0, 128 - D)))
    out_bds = fn(X.reshape(B * S).astype(jnp.int32), table_p, pos_embd.T)
    return jnp.swapaxes(out_bds, 1, 2)

# --- scband reference (transcript-rebuilt; emitter-appended) ---
"""Pipeline reference for scband-token-embeddings-66821101191481 (READ-ONLY COPY).

The authoritative reference and input builder live on the scoring server;
editing this copy changes nothing except your own understanding.
"""

import jax, jax.numpy as jnp
import numpy as np

N_EMBD = 1000000
N_DIM = 64
D_SEQ_LEN = 2048
BATCH = 4


def setup_inputs(seed: int = 0) -> dict:
    key = jax.random.key(seed)
    k_x, k_tok, k_pos = jax.random.split(key, 3)
    X = jax.random.randint(k_x, (BATCH, D_SEQ_LEN), 0, N_EMBD, dtype=jnp.int64 if jax.config.jax_enable_x64 else jnp.int32)
    tok_embd = jax.random.normal(k_tok, (N_EMBD, N_DIM), dtype=jnp.float32) * 0.02
    pos_embd = jax.random.normal(k_pos, (D_SEQ_LEN, N_DIM), dtype=jnp.float32) * 0.02
    return {"X": X, "tok_embd": tok_embd, "pos_embd": pos_embd}


def reference(X, tok_embd, pos_embd):
    # Embedding lookup: gather rows of tok_embd by token ids
    emb = jnp.take(tok_embd, X, axis=0)  # [B, S, D]
    # Add learned positional embedding (broadcast over batch)
    out = emb + pos_embd[None, :, :]
    return out

if __name__ == "__main__":
    import jax
    _d = setup_inputs()
    print(jax.jit(kernel)(*tuple(_d.values())))

</pallas_src>

<mosaic_0001>
#map = affine_map<(d0, d1) -> (0)>
#map1 = affine_map<(d0, d1) -> (0, 0)>
#map2 = affine_map<(d0, d1) -> (0, 0, 0)>
module attributes {stable_mosaic.version = 14 : i64} {
  func.func @emb_kernel(%arg0: i32, %arg1: i32, %arg2: memref<8192xi32, #tpu.memory_space<hbm>>, %arg3: memref<1000000x128xf32, #tpu.memory_space<hbm>>, %arg4: memref<64x2048xf32, #tpu.memory_space<hbm>>, %arg5: memref<4x64x2048xf32, #tpu.memory_space<hbm>>, %arg6: memref<256xi32, #tpu.memory_space<vmem>>, %arg7: memref<256x128xf32, #tpu.memory_space<vmem>>, %arg8: memref<64x256xf32, #tpu.memory_space<vmem>>, %arg9: memref<64x256xf32, #tpu.memory_space<vmem>>, %arg10: memref<!tpu.dma_semaphore, #tpu.memory_space<semaphore_mem>>) attributes {dimension_semantics = [#tpu.dimension_semantics<core_parallel>, #tpu.dimension_semantics<subcore_parallel>], iteration_bounds = array<i64: 2, 16>, scalar_prefetch = 0 : i64, scratch_operands = 5 : i64, tpu.core_type = #tpu.core_type<sc_vector_subcore>, window_params = [{transform_indices = #map}, {transform_indices = #map1}, {transform_indices = #map1}, {transform_indices = #map2}]} {
    %mul3A = arith.constant 2 : i32
    %mul3A_0 = arith.muli %arg1, %mul3A : i32
    %add3A = arith.addi %mul3A_0, %arg0 : i32
    %mul3A_1 = arith.constant 256 : i32
    %mul3A_2 = arith.muli %add3A, %mul3A_1 : i32
    %div3A = arith.constant 2048 : i32
    %div3A_3 = arith.divsi %mul3A_2, %div3A : i32
    %rem3A = arith.constant 2048 : i32
    %rem3A_4 = arith.remsi %mul3A_2, %rem3A : i32
    "tpu.region"() ({
      %run_scoped3A = tpu.sem_alloc : memref<!tpu.dma_semaphore, #tpu.memory_space<semaphore_mem>>
      %dma_start3A_15 = tpu.memref_slice %arg2[%mul3A_2] : memref<8192xi32, #tpu.memory_space<hbm>> -> memref<256xi32, #tpu.memory_space<hbm>>
      %dma_start3A_16 = tpu.memref_slice %arg2[%mul3A_2] : memref<8192xi32, #tpu.memory_space<hbm>> -> memref<256xi32, #tpu.memory_space<hbm>>
      tpu.enqueue_dma source(%dma_start3A_16 : memref<256xi32, #tpu.memory_space<hbm>>) target(%arg6 : memref<256xi32, #tpu.memory_space<vmem>>) target_semaphore(%run_scoped3A : memref<!tpu.dma_semaphore, #tpu.memory_space<semaphore_mem>>)
      %dma_wait3A_17 = tpu.memref_slice %arg2[%mul3A_2] : memref<8192xi32, #tpu.memory_space<hbm>> -> memref<256xi32, #tpu.memory_space<hbm>>
      %dma_wait3A_18 = tpu.memref_slice %arg2[%mul3A_2] : memref<8192xi32, #tpu.memory_space<hbm>> -> memref<256xi32, #tpu.memory_space<hbm>>
      tpu.wait_dma2 semaphore(%run_scoped3A : memref<!tpu.dma_semaphore, #tpu.memory_space<semaphore_mem>>) src(%dma_wait3A_18 : memref<256xi32, #tpu.memory_space<hbm>>) dst(%arg6 : memref<256xi32, #tpu.memory_space<vmem>>)
      tpu.yield
    }) : () -> ()
    %dma_start3A = arith.constant 0 : i32
    %dma_start3A_5 = arith.constant 0 : i32
    %dma_start3A_6 = tpu.memref_slice %arg3[%dma_start3A, %dma_start3A_5] : memref<1000000x128xf32, #tpu.memory_space<hbm>> -> memref<1000000x128xf32, #tpu.memory_space<hbm>>
    tpu.enqueue_indirect_dma source(%dma_start3A_6 : memref<1000000x128xf32, #tpu.memory_space<hbm>>) target(%arg7 : memref<256x128xf32, #tpu.memory_space<vmem>>) offsets(%arg6 : memref<256xi32, #tpu.memory_space<vmem>>) semaphore(%arg10 : memref<!tpu.dma_semaphore, #tpu.memory_space<semaphore_mem>>)
    "tpu.region"() ({
      %run_scoped3A = tpu.sem_alloc : memref<!tpu.dma_semaphore, #tpu.memory_space<semaphore_mem>>
      %dma_start3A_15 = arith.constant 0 : i32
      %dma_start3A_16 = tpu.memref_slice %arg4[%dma_start3A_15, %rem3A_4] : memref<64x2048xf32, #tpu.memory_space<hbm>> -> memref<64x256xf32, #tpu.memory_space<hbm>>
      %dma_start3A_17 = arith.constant 0 : i32
      %dma_start3A_18 = tpu.memref_slice %arg4[%dma_start3A_17, %rem3A_4] : memref<64x2048xf32, #tpu.memory_space<hbm>> -> memref<64x256xf32, #tpu.memory_space<hbm>>
      tpu.enqueue_dma source(%dma_start3A_18 : memref<64x256xf32, #tpu.memory_space<hbm>>) target(%arg8 : memref<64x256xf32, #tpu.memory_space<vmem>>) target_semaphore(%run_scoped3A : memref<!tpu.dma_semaphore, #tpu.memory_space<semaphore_mem>>)
      %dma_wait3A_19 = arith.constant 0 : i32
      %dma_wait3A_20 = tpu.memref_slice %arg4[%dma_wait3A_19, %rem3A_4] : memref<64x2048xf32, #tpu.memory_space<hbm>> -> memref<64x256xf32, #tpu.memory_space<hbm>>
      %dma_wait3A_21 = arith.constant 0 : i32
      %dma_wait3A_22 = tpu.memref_slice %arg4[%dma_wait3A_21, %rem3A_4] : memref<64x2048xf32, #tpu.memory_space<hbm>> -> memref<64x256xf32, #tpu.memory_space<hbm>>
      tpu.wait_dma2 semaphore(%run_scoped3A : memref<!tpu.dma_semaphore, #tpu.memory_space<semaphore_mem>>) src(%dma_wait3A_22 : memref<64x256xf32, #tpu.memory_space<hbm>>) dst(%arg8 : memref<64x256xf32, #tpu.memory_space<vmem>>)
      tpu.yield
    }) : () -> ()
    %dma_wait3A = arith.constant 0 : i32
    %dma_wait3A_7 = arith.constant 0 : i32
    %dma_wait3A_8 = tpu.memref_slice %arg3[%dma_wait3A, %dma_wait3A_7] : memref<1000000x128xf32, #tpu.memory_space<hbm>> -> memref<1000000x128xf32, #tpu.memory_space<hbm>>
    tpu.wait_indirect_dma semaphore(%arg10 : memref<!tpu.dma_semaphore, #tpu.memory_space<semaphore_mem>>) src(%dma_wait3A_8 : memref<1000000x128xf32, #tpu.memory_space<hbm>>) dst(%arg7 : memref<256x128xf32, #tpu.memory_space<vmem>>)
    %iota3A = tpu.iota {dimensions = array<i32: 0>} : vector<16xi32>
    %broadcast_in_dim3A = arith.constant 0 : i32
    %broadcast_in_dim3A_9 = vector.broadcast %broadcast_in_dim3A : i32 to vector<16xi32>
    %scan3A = arith.constant 0 : i32
    %scan3A_10 = arith.constant 64 : i32
    %scan3A_11 = arith.addi %scan3A, %scan3A_10 : i32
    %scan3A_12 = arith.constant 1 : i32
    %scan3A_13 = scf.for %scan3A_15 = %scan3A to %scan3A_11 step %scan3A_12 iter_args(%scan3A_16 = %broadcast_in_dim3A_9) -> (vector<16xi32>)  : i32 {
      %add3A_17 = arith.constant 0 : i32
      %add3A_18 = vector.broadcast %add3A_17 : i32 to vector<16xi32>
      %add3A_19 = arith.addi %iota3A, %add3A_18 : vector<16xi32>
      %gather3A = tpu.vector_load_idx %arg7[%add3A_19, %scan3A_16] : memref<256x128xf32, #tpu.memory_space<vmem>>[vector<16xi32>, vector<16xi32>], vector<16xf32>,
      %get3A = arith.index_cast %scan3A_15 : i32 to index
      %get3A_20 = arith.constant 0 : index
      %get3A_21 = tpu.vector_load %arg8[%get3A, %get3A_20] {strides = array<i32>} : memref<64x256xf32, #tpu.memory_space<vmem>>, vector<16xf32>,
      %add3A_22 = arith.addf %gather3A, %get3A_21 : vector<16xf32>
      %swap3A = arith.index_cast %scan3A_15 : i32 to index
      %swap3A_23 = arith.constant 0 : index
      %swap3A_24 = tpu.vector_load %arg9[%swap3A, %swap3A_23] {strides = array<i32>} : memref<64x256xf32, #tpu.memory_space<vmem>>, vector<16xf32>,
      tpu.vector_store %arg9[%swap3A, %swap3A_23], %add3A_22 {strides = array<i32>} : memref<64x256xf32, #tpu.memory_space<vmem>>, vector<16xf32>,
      %add3A_25 = arith.constant 16 : i32
      %add3A_26 = vector.broadcast %add3A_25 : i32 to vector<16xi32>
      %add3A_27 = arith.addi %iota3A, %add3A_26 : vector<16xi32>
      %gather3A_28 = tpu.vector_load_idx %arg7[%add3A_27, %scan3A_16] : memref<256x128xf32, #tpu.memory_space<vmem>>[vector<16xi32>, vector<16xi32>], vector<16xf32>,
      %get3A_29 = arith.index_cast %scan3A_15 : i32 to index
      %get3A_30 = arith.constant 16 : index
      %get3A_31 = tpu.vector_load %arg8[%get3A_29, %get3A_30] {strides = array<i32>} : memref<64x256xf32, #tpu.memory_space<vmem>>, vector<16xf32>,
      %add3A_32 = arith.addf %gather3A_28, %get3A_31 : vector<16xf32>
      %swap3A_33 = arith.index_cast %scan3A_15 : i32 to index
      %swap3A_34 = arith.constant 16 : index
      %swap3A_35 = tpu.vector_load %arg9[%swap3A_33, %swap3A_34] {strides = array<i32>} : memref<64x256xf32, #tpu.memory_space<vmem>>, vector<16xf32>,
      tpu.vector_store %arg9[%swap3A_33, %swap3A_34], %add3A_32 {strides = array<i32>} : memref<64x256xf32, #tpu.memory_space<vmem>>, vector<16xf32>,
      %add3A_36 = arith.constant 32 : i32
      %add3A_37 = vector.broadcast %add3A_36 : i32 to vector<16xi32>
      %add3A_38 = arith.addi %iota3A, %add3A_37 : vector<16xi32>
      %gather3A_39 = tpu.vector_load_idx %arg7[%add3A_38, %scan3A_16] : memref<256x128xf32, #tpu.memory_space<vmem>>[vector<16xi32>, vector<16xi32>], vector<16xf32>,
      %get3A_40 = arith.index_cast %scan3A_15 : i32 to index
      %get3A_41 = arith.constant 32 : index
      %get3A_42 = tpu.vector_load %arg8[%get3A_40, %get3A_41] {strides = array<i32>} : memref<64x256xf32, #tpu.memory_space<vmem>>, vector<16xf32>,
      %add3A_43 = arith.addf %gather3A_39, %get3A_42 : vector<16xf32>
      %swap3A_44 = arith.index_cast %scan3A_15 : i32 to index
      %swap3A_45 = arith.constant 32 : index
      %swap3A_46 = tpu.vector_load %arg9[%swap3A_44, %swap3A_45] {strides = array<i32>} : memref<64x256xf32, #tpu.memory_space<vmem>>, vector<16xf32>,
      tpu.vector_store %arg9[%swap3A_44, %swap3A_45], %add3A_43 {strides = array<i32>} : memref<64x256xf32, #tpu.memory_space<vmem>>, vector<16xf32>,
      %add3A_47 = arith.constant 48 : i32
      %add3A_48 = vector.broadcast %add3A_47 : i32 to vector<16xi32>
      %add3A_49 = arith.addi %iota3A, %add3A_48 : vector<16xi32>
      %gather3A_50 = tpu.vector_load_idx %arg7[%add3A_49, %scan3A_16] : memref<256x128xf32, #tpu.memory_space<vmem>>[vector<16xi32>, vector<16xi32>], vector<16xf32>,
      %get3A_51 = arith.index_cast %scan3A_15 : i32 to index
      %get3A_52 = arith.constant 48 : index
      %get3A_53 = tpu.vector_load %arg8[%get3A_51, %get3A_52] {strides = array<i32>} : memref<64x256xf32, #tpu.memory_space<vmem>>, vector<16xf32>,
      %add3A_54 = arith.addf %gather3A_50, %get3A_53 : vector<16xf32>
      %swap3A_55 = arith.index_cast %scan3A_15 : i32 to index
      %swap3A_56 = arith.constant 48 : index
      %swap3A_57 = tpu.vector_load %arg9[%swap3A_55, %swap3A_56] {strides = array<i32>} : memref<64x256xf32, #tpu.memory_space<vmem>>, vector<16xf32>,
      tpu.vector_store %arg9[%swap3A_55, %swap3A_56], %add3A_54 {strides = array<i32>} : memref<64x256xf32, #tpu.memory_space<vmem>>, vector<16xf32>,
      %add3A_58 = arith.constant 64 : i32
      %add3A_59 = vector.broadcast %add3A_58 : i32 to vector<16xi32>
      %add3A_60 = arith.addi %iota3A, %add3A_59 : vector<16xi32>
      %gather3A_61 = tpu.vector_load_idx %arg7[%add3A_60, %scan3A_16] : memref<256x128xf32, #tpu.memory_space<vmem>>[vector<16xi32>, vector<16xi32>], vector<16xf32>,
      %get3A_62 = arith.index_cast %scan3A_15 : i32 to index
      %get3A_63 = arith.constant 64 : index
      %get3A_64 = tpu.vector_load %arg8[%get3A_62, %get3A_63] {strides = array<i32>} : memref<64x256xf32, #tpu.memory_space<vmem>>, vector<16xf32>,
      %add3A_65 = arith.addf %gather3A_61, %get3A_64 : vector<16xf32>
      %swap3A_66 = arith.index_cast %scan3A_15 : i32 to index
      %swap3A_67 = arith.constant 64 : index
      %swap3A_68 = tpu.vector_load %arg9[%swap3A_66, %swap3A_67] {strides = array<i32>} : memref<64x256xf32, #tpu.memory_space<vmem>>, vector<16xf32>,
      tpu.vector_store %arg9[%swap3A_66, %swap3A_67], %add3A_65 {strides = array<i32>} : memref<64x256xf32, #tpu.memory_space<vmem>>, vector<16xf32>,
      %add3A_69 = arith.constant 80 : i32
      %add3A_70 = vector.broadcast %add3A_69 : i32 to vector<16xi32>
      %add3A_71 = arith.addi %iota3A, %add3A_70 : vector<16xi32>
      %gather3A_72 = tpu.vector_load_idx %arg7[%add3A_71, %scan3A_16] : memref<256x128xf32, #tpu.memory_space<vmem>>[vector<16xi32>, vector<16xi32>], vector<16xf32>,
      %get3A_73 = arith.index_cast %scan3A_15 : i32 to index
      %get3A_74 = arith.constant 80 : index
      %get3A_75 = tpu.vector_load %arg8[%get3A_73, %get3A_74] {strides = array<i32>} : memref<64x256xf32, #tpu.memory_space<vmem>>, vector<16xf32>,
      %add3A_76 = arith.addf %gather3A_72, %get3A_75 : vector<16xf32>
      %swap3A_77 = arith.index_cast %scan3A_15 : i32 to index
      %swap3A_78 = arith.constant 80 : index
      %swap3A_79 = tpu.vector_load %arg9[%swap3A_77, %swap3A_78] {strides = array<i32>} : memref<64x256xf32, #tpu.memory_space<vmem>>, vector<16xf32>,
      tpu.vector_store %arg9[%swap3A_77, %swap3A_78], %add3A_76 {strides = array<i32>} : memref<64x256xf32, #tpu.memory_space<vmem>>, vector<16xf32>,
      %add3A_80 = arith.constant 96 : i32
      %add3A_81 = vector.broadcast %add3A_80 : i32 to vector<16xi32>
      %add3A_82 = arith.addi %iota3A, %add3A_81 : vector<16xi32>
      %gather3A_83 = tpu.vector_load_idx %arg7[%add3A_82, %scan3A_16] : memref<256x128xf32, #tpu.memory_space<vmem>>[vector<16xi32>, vector<16xi32>], vector<16xf32>,
      %get3A_84 = arith.index_cast %scan3A_15 : i32 to index
      %get3A_85 = arith.constant 96 : index
      %get3A_86 = tpu.vector_load %arg8[%get3A_84, %get3A_85] {strides = array<i32>} : memref<64x256xf32, #tpu.memory_space<vmem>>, vector<16xf32>,
      %add3A_87 = arith.addf %gather3A_83, %get3A_86 : vector<16xf32>
      %swap3A_88 = arith.index_cast %scan3A_15 : i32 to index
      %swap3A_89 = arith.constant 96 : index
      %swap3A_90 = tpu.vector_load %arg9[%swap3A_88, %swap3A_89] {strides = array<i32>} : memref<64x256xf32, #tpu.memory_space<vmem>>, vector<16xf32>,
      tpu.vector_store %arg9[%swap3A_88, %swap3A_89], %add3A_87 {strides = array<i32>} : memref<64x256xf32, #tpu.memory_space<vmem>>, vector<16xf32>,
      %add3A_91 = arith.constant 112 : i32
      %add3A_92 = vector.broadcast %add3A_91 : i32 to vector<16xi32>
      %add3A_93 = arith.addi %iota3A, %add3A_92 : vector<16xi32>
      %gather3A_94 = tpu.vector_load_idx %arg7[%add3A_93, %scan3A_16] : memref<256x128xf32, #tpu.memory_space<vmem>>[vector<16xi32>, vector<16xi32>], vector<16xf32>,
      %get3A_95 = arith.index_cast %scan3A_15 : i32 to index
      %get3A_96 = arith.constant 112 : index
      %get3A_97 = tpu.vector_load %arg8[%get3A_95, %get3A_96] {strides = array<i32>} : memref<64x256xf32, #tpu.memory_space<vmem>>, vector<16xf32>,
      %add3A_98 = arith.addf %gather3A_94, %get3A_97 : vector<16xf32>
      %swap3A_99 = arith.index_cast %scan3A_15 : i32 to index
      %swap3A_100 = arith.constant 112 : index
      %swap3A_101 = tpu.vector_load %arg9[%swap3A_99, %swap3A_100] {strides = array<i32>} : memref<64x256xf32, #tpu.memory_space<vmem>>, vector<16xf32>,
      tpu.vector_store %arg9[%swap3A_99, %swap3A_100], %add3A_98 {strides = array<i32>} : memref<64x256xf32, #tpu.memory_space<vmem>>, vector<16xf32>,
      %add3A_102 = arith.constant 128 : i32
      %add3A_103 = vector.broadcast %add3A_102 : i32 to vector<16xi32>
      %add3A_104 = arith.addi %iota3A, %add3A_103 : vector<16xi32>
      %gather3A_105 = tpu.vector_load_idx %arg7[%add3A_104, %scan3A_16] : memref<256x128xf32, #tpu.memory_space<vmem>>[vector<16xi32>, vector<16xi32>], vector<16xf32>,
      %get3A_106 = arith.index_cast %scan3A_15 : i32 to index
      %get3A_107 = arith.constant 128 : index
      %get3A_108 = tpu.vector_load %arg8[%get3A_106, %get3A_107] {strides = array<i32>} : memref<64x256xf32, #tpu.memory_space<vmem>>, vector<16xf32>,
      %add3A_109 = arith.addf %gather3A_105, %get3A_108 : vector<16xf32>
      %swap3A_110 = arith.index_cast %scan3A_15 : i32 to index
      %swap3A_111 = arith.constant 128 : index
      %swap3A_112 = tpu.vector_load %arg9[%swap3A_110, %swap3A_111] {strides = array<i32>} : memref<64x256xf32, #tpu.memory_space<vmem>>, vector<16xf32>,
      tpu.vector_store %arg9[%swap3A_110, %swap3A_111], %add3A_109 {strides = array<i32>} : memref<64x256xf32, #tpu.memory_space<vmem>>, vector<16xf32>,
      %add3A_113 = arith.constant 144 : i32
      %add3A_114 = vector.broadcast %add3A_113 : i32 to vector<16xi32>
      %add3A_115 = arith.addi %iota3A, %add3A_114 : vector<16xi32>
      %gather3A_116 = tpu.vector_load_idx %arg7[%add3A_115, %scan3A_16] : memref<256x128xf32, #tpu.memory_space<vmem>>[vector<16xi32>, vector<16xi32>], vector<16xf32>,
      %get3A_117 = arith.index_cast %scan3A_15 : i32 to index
      %get3A_118 = arith.constant 144 : index
      %get3A_119 = tpu.vector_load %arg8[%get3A_117, %get3A_118] {strides = array<i32>} : memref<64x256xf32, #tpu.memory_space<vmem>>, vector<16xf32>,
      %add3A_120 = arith.addf %gather3A_116, %get3A_119 : vector<16xf32>
      %swap3A_121 = arith.index_cast %scan3A_15 : i32 to index
      %swap3A_122 = arith.constant 144 : index
      %swap3A_123 = tpu.vector_load %arg9[%swap3A_121, %swap3A_122] {strides = array<i32>} : memref<64x256xf32, #tpu.memory_space<vmem>>, vector<16xf32>,
      tpu.vector_store %arg9[%swap3A_121, %swap3A_122], %add3A_120 {strides = array<i32>} : memref<64x256xf32, #tpu.memory_space<vmem>>, vector<16xf32>,
      %add3A_124 = arith.constant 160 : i32
      %add3A_125 = vector.broadcast %add3A_124 : i32 to vector<16xi32>
      %add3A_126 = arith.addi %iota3A, %add3A_125 : vector<16xi32>
      %gather3A_127 = tpu.vector_load_idx %arg7[%add3A_126, %scan3A_16] : memref<256x128xf32, #tpu.memory_space<vmem>>[vector<16xi32>, vector<16xi32>], vector<16xf32>,
      %get3A_128 = arith.index_cast %scan3A_15 : i32 to index
      %get3A_129 = arith.constant 160 : index
      %get3A_130 = tpu.vector_load %arg8[%get3A_128, %get3A_129] {strides = array<i32>} : memref<64x256xf32, #tpu.memory_space<vmem>>, vector<16xf32>,
      %add3A_131 = arith.addf %gather3A_127, %get3A_130 : vector<16xf32>
      %swap3A_132 = arith.index_cast %scan3A_15 : i32 to index
      %swap3A_133 = arith.constant 160 : index
      %swap3A_134 = tpu.vector_load %arg9[%swap3A_132, %swap3A_133] {strides = array<i32>} : memref<64x256xf32, #tpu.memory_space<vmem>>, vector<16xf32>,
      tpu.vector_store %arg9[%swap3A_132, %swap3A_133], %add3A_131 {strides = array<i32>} : memref<64x256xf32, #tpu.memory_space<vmem>>, vector<16xf32>,
      %add3A_135 = arith.constant 176 : i32
      %add3A_136 = vector.broadcast %add3A_135 : i32 to vector<16xi32>
      %add3A_137 = arith.addi %iota3A, %add3A_136 : vector<16xi32>
      %gather3A_138 = tpu.vector_load_idx %arg7[%add3A_137, %scan3A_16] : memref<256x128xf32, #tpu.memory_space<vmem>>[vector<16xi32>, vector<16xi32>], vector<16xf32>,
      %get3A_139 = arith.index_cast %scan3A_15 : i32 to index
      %get3A_140 = arith.constant 176 : index
      %get3A_141 = tpu.vector_load %arg8[%get3A_139, %get3A_140] {strides = array<i32>} : memref<64x256xf32, #tpu.memory_space<vmem>>, vector<16xf32>,
      %add3A_142 = arith.addf %gather3A_138, %get3A_141 : vector<16xf32>
      %swap3A_143 = arith.index_cast %scan3A_15 : i32 to index
      %swap3A_144 = arith.constant 176 : index
      %swap3A_145 = tpu.vector_load %arg9[%swap3A_143, %swap3A_144] {strides = array<i32>} : memref<64x256xf32, #tpu.memory_space<vmem>>, vector<16xf32>,
      tpu.vector_store %arg9[%swap3A_143, %swap3A_144], %add3A_142 {strides = array<i32>} : memref<64x256xf32, #tpu.memory_space<vmem>>, vector<16xf32>,
      %add3A_146 = arith.constant 192 : i32
      %add3A_147 = vector.broadcast %add3A_146 : i32 to vector<16xi32>
      %add3A_148 = arith.addi %iota3A, %add3A_147 : vector<16xi32>
      %gather3A_149 = tpu.vector_load_idx %arg7[%add3A_148, %scan3A_16] : memref<256x128xf32, #tpu.memory_space<vmem>>[vector<16xi32>, vector<16xi32>], vector<16xf32>,
      %get3A_150 = arith.index_cast %scan3A_15 : i32 to index
      %get3A_151 = arith.constant 192 : index
      %get3A_152 = tpu.vector_load %arg8[%get3A_150, %get3A_151] {strides = array<i32>} : memref<64x256xf32, #tpu.memory_space<vmem>>, vector<16xf32>,
      %add3A_153 = arith.addf %gather3A_149, %get3A_152 : vector<16xf32>
      %swap3A_154 = arith.index_cast %scan3A_15 : i32 to index
      %swap3A_155 = arith.constant 192 : index
      %swap3A_156 = tpu.vector_load %arg9[%swap3A_154, %swap3A_155] {strides = array<i32>} : memref<64x256xf32, #tpu.memory_space<vmem>>, vector<16xf32>,
      tpu.vector_store %arg9[%swap3A_154, %swap3A_155], %add3A_153 {strides = array<i32>} : memref<64x256xf32, #tpu.memory_space<vmem>>, vector<16xf32>,
      %add3A_157 = arith.constant 208 : i32
      %add3A_158 = vector.broadcast %add3A_157 : i32 to vector<16xi32>
      %add3A_159 = arith.addi %iota3A, %add3A_158 : vector<16xi32>
      %gather3A_160 = tpu.vector_load_idx %arg7[%add3A_159, %scan3A_16] : memref<256x128xf32, #tpu.memory_space<vmem>>[vector<16xi32>, vector<16xi32>], vector<16xf32>,
      %get3A_161 = arith.index_cast %scan3A_15 : i32 to index
      %get3A_162 = arith.constant 208 : index
      %get3A_163 = tpu.vector_load %arg8[%get3A_161, %get3A_162] {strides = array<i32>} : memref<64x256xf32, #tpu.memory_space<vmem>>, vector<16xf32>,
      %add3A_164 = arith.addf %gather3A_160, %get3A_163 : vector<16xf32>
      %swap3A_165 = arith.index_cast %scan3A_15 : i32 to index
      %swap3A_166 = arith.constant 208 : index
      %swap3A_167 = tpu.vector_load %arg9[%swap3A_165, %swap3A_166] {strides = array<i32>} : memref<64x256xf32, #tpu.memory_space<vmem>>, vector<16xf32>,
      tpu.vector_store %arg9[%swap3A_165, %swap3A_166], %add3A_164 {strides = array<i32>} : memref<64x256xf32, #tpu.memory_space<vmem>>, vector<16xf32>,
      %add3A_168 = arith.constant 224 : i32
      %add3A_169 = vector.broadcast %add3A_168 : i32 to vector<16xi32>
      %add3A_170 = arith.addi %iota3A, %add3A_169 : vector<16xi32>
      %gather3A_171 = tpu.vector_load_idx %arg7[%add3A_170, %scan3A_16] : memref<256x128xf32, #tpu.memory_space<vmem>>[vector<16xi32>, vector<16xi32>], vector<16xf32>,
      %get3A_172 = arith.index_cast %scan3A_15 : i32 to index
      %get3A_173 = arith.constant 224 : index
      %get3A_174 = tpu.vector_load %arg8[%get3A_172, %get3A_173] {strides = array<i32>} : memref<64x256xf32, #tpu.memory_space<vmem>>, vector<16xf32>,
      %add3A_175 = arith.addf %gather3A_171, %get3A_174 : vector<16xf32>
      %swap3A_176 = arith.index_cast %scan3A_15 : i32 to index
      %swap3A_177 = arith.constant 224 : index
      %swap3A_178 = tpu.vector_load %arg9[%swap3A_176, %swap3A_177] {strides = array<i32>} : memref<64x256xf32, #tpu.memory_space<vmem>>, vector<16xf32>,
      tpu.vector_store %arg9[%swap3A_176, %swap3A_177], %add3A_175 {strides = array<i32>} : memref<64x256xf32, #tpu.memory_space<vmem>>, vector<16xf32>,
      %add3A_179 = arith.constant 240 : i32
      %add3A_180 = vector.broadcast %add3A_179 : i32 to vector<16xi32>
      %add3A_181 = arith.addi %iota3A, %add3A_180 : vector<16xi32>
      %gather3A_182 = tpu.vector_load_idx %arg7[%add3A_181, %scan3A_16] : memref<256x128xf32, #tpu.memory_space<vmem>>[vector<16xi32>, vector<16xi32>], vector<16xf32>,
      %get3A_183 = arith.index_cast %scan3A_15 : i32 to index
      %get3A_184 = arith.constant 240 : index
      %get3A_185 = tpu.vector_load %arg8[%get3A_183, %get3A_184] {strides = array<i32>} : memref<64x256xf32, #tpu.memory_space<vmem>>, vector<16xf32>,
      %add3A_186 = arith.addf %gather3A_182, %get3A_185 : vector<16xf32>
      %swap3A_187 = arith.index_cast %scan3A_15 : i32 to index
      %swap3A_188 = arith.constant 240 : index
      %swap3A_189 = tpu.vector_load %arg9[%swap3A_187, %swap3A_188] {strides = array<i32>} : memref<64x256xf32, #tpu.memory_space<vmem>>, vector<16xf32>,
      tpu.vector_store %arg9[%swap3A_187, %swap3A_188], %add3A_186 {strides = array<i32>} : memref<64x256xf32, #tpu.memory_space<vmem>>, vector<16xf32>,
      %add3A_190 = arith.constant 1 : i32
      %add3A_191 = vector.broadcast %add3A_190 : i32 to vector<16xi32>
      %add3A_192 = arith.addi %scan3A_16, %add3A_191 : vector<16xi32>
      scf.yield %add3A_192 : vector<16xi32>
    }
    %scan3A_14 = arith.constant 64 : i32
    "tpu.region"() ({
      %run_scoped3A = tpu.sem_alloc : memref<!tpu.dma_semaphore, #tpu.memory_space<semaphore_mem>>
      %dma_start3A_15 = arith.constant 0 : i32
      %dma_start3A_16 = tpu.memref_slice %arg5[%div3A_3, %dma_start3A_15, %rem3A_4] : memref<4x64x2048xf32, #tpu.memory_space<hbm>> -> memref<1x64x256xf32, #tpu.memory_space<hbm>>
      %dma_start3A_17 = tpu.memref_squeeze %dma_start3A_16 : memref<1x64x256xf32, #tpu.memory_space<hbm>> -> memref<64x256xf32, #tpu.memory_space<hbm>>
      %dma_start3A_18 = arith.constant 0 : i32
      %dma_start3A_19 = tpu.memref_slice %arg5[%div3A_3, %dma_start3A_18, %rem3A_4] : memref<4x64x2048xf32, #tpu.memory_space<hbm>> -> memref<1x64x256xf32, #tpu.memory_space<hbm>>
      %dma_start3A_20 = tpu.memref_squeeze %dma_start3A_19 : memref<1x64x256xf32, #tpu.memory_space<hbm>> -> memref<64x256xf32, #tpu.memory_space<hbm>>
      tpu.enqueue_dma source(%arg9 : memref<64x256xf32, #tpu.memory_space<vmem>>) target(%dma_start3A_20 : memref<64x256xf32, #tpu.memory_space<hbm>>) target_semaphore(%run_scoped3A : memref<!tpu.dma_semaphore, #tpu.memory_space<semaphore_mem>>)
      %dma_wait3A_21 = arith.constant 0 : i32
      %dma_wait3A_22 = tpu.memref_slice %arg5[%div3A_3, %dma_wait3A_21, %rem3A_4] : memref<4x64x2048xf32, #tpu.memory_space<hbm>> -> memref<1x64x256xf32, #tpu.memory_space<hbm>>
      %dma_wait3A_23 = tpu.memref_squeeze %dma_wait3A_22 : memref<1x64x256xf32, #tpu.memory_space<hbm>> -> memref<64x256xf32, #tpu.memory_space<hbm>>
      %dma_wait3A_24 = arith.constant 0 : i32
      %dma_wait3A_25 = tpu.memref_slice %arg5[%div3A_3, %dma_wait3A_24, %rem3A_4] : memref<4x64x2048xf32, #tpu.memory_space<hbm>> -> memref<1x64x256xf32, #tpu.memory_space<hbm>>
      %dma_wait3A_26 = tpu.memref_squeeze %dma_wait3A_25 : memref<1x64x256xf32, #tpu.memory_space<hbm>> -> memref<64x256xf32, #tpu.memory_space<hbm>>
      tpu.wait_dma2 semaphore(%run_scoped3A : memref<!tpu.dma_semaphore, #tpu.memory_space<semaphore_mem>>) src(%arg9 : memref<64x256xf32, #tpu.memory_space<vmem>>) dst(%dma_wait3A_26 : memref<64x256xf32, #tpu.memory_space<hbm>>)
      tpu.yield
    }) : () -> ()
    return
  }
}

</mosaic_0001>

<sc_bundles>
// kernel: kernel.3.cloned.1.call-start
scs
__scs_entry_jumppad:
0x0: {  	(pc) =	sbr.rel $0x88, $3  }
0x1: {  	(tag) =	ssettag $0x0;
	lr =	simm.s32 $0x1  }
0x2: {  	[smem:$0x3F9E] =	sst lr;
	_ =	strace $0xD0000000  }
0x3: {  	_ = 	snop  }
0x4: {  	_ = 	snop  }
0x5: {  	_ = 	snop  }
0x6: {  	_ = 	snop  }
0x7: {  	_ = 	snop  }
__scs_overlays_trampoline_lowered:
0x8: {  	[smem:$0x3FAD] =	sst s0  }
0x9: {  	[smem:$0x3FAE] =	sst s1  }
0xa: {  	[smem:$0x3FAF] =	sst s2  }
0xb: {  	[smem:$0x3FB0] =	sst s3  }
0xc: {  	[smem:$0x3FB1] =	sst s4  }
0xd: {  	[smem:$0x3FB2] =	sst s5  }
0xe: {  	[smem:$0x3FB3] =	sst s6  }
0xf: {  	[smem:$0x3FB4] =	sst s7  }
0x10: {  	[smem:$0x3FB5] =	sst s8  }
0x11: {  	[smem:$0x3FB6] =	sst s9;
	s0 =	simm.s32 @!p0 $0x0  }
0x12: {  	s1 =	sld [smem:$0x3F9C];
	s0 =	simm.s32 @p0 $0x1  }
0x13: {  	[smem:$0x3FB7] =	sst s0;
	s0 =	simm.s32 @!p1 $0x0  }
0x14: {  	s2 =	sld [smem:$0x3F9B];
	s0 =	simm.s32 @p1 $0x1  }
0x15: {  	[smem:$0x3FB8] =	sst s0;
	s0 =	simm.s32 @!p2 $0x0  }
0x16: {  	s3 =	sld [smem:$0x3FDB];
	s0 =	simm.s32 @p2 $0x1  }
0x17: {  	s4 =	simm.s32 $0x1BF5;
	[smem:$0x3FBA] =	sst s0  }
0x18: {  	s0 =	sld [smem:$0x3F9D];
	_ =	swait.ge [sflag:s4], $0x0  }
0x19: {  	s7 =	sld [smem:$0x3F9E]  }
0x1a: {  	s8 =	sadd.s32 $0xFFFFE003, lr  }
0x1b: {  	s9 =	sadd.s32 $0xFFFFFEF7, lr;
	s5 =	simm.s32 $0xFFFFFFFF;
	p2 =	slt.u32 s8, $0xFFFFF086  }
0x1c: {  	p1 =	slt.u32 s9, $0xF7A;
	s5 =	simm.s32 @!p2 $0x0  }
0x1d: {  	s5 =	simm.s32 @p1 $0x1;
	p0 =	seq.s32 s7, s2  }
0x1e: {  	s7 =	smul.u32 @!p0 $0xF7A, s2;
	p2 =	seq.s32 @!p0 s5, $0x0  }
0x1f: {  	s9 =	smul.u32 $0xF7A, s1;
	s8 =	simm.s32 @!p0 $0x1BF5;
	p2 =	por !p2, p0  }
0x20: {  	[sflag:s8] =	ssyncset.s32 @!p0 $0xFFFFF086;
	s6 =	sadd.s32 @!p0 s3, s7;
	s7 =	simm.s32 @!p0 $0x108  }
0x21: {  	s3 =	sadd.s32 s3, s9;
	s6 =	sadd.s32 @!p0 $0x88, s6;
	s7 =	simm.s32 @p2 $0x1082  }
0x22: {  	[simem:s7], [sflag:s8] =	dma.local @!p0 [hbm:s6], $0xF7A  }
0x23: {  	s9 =	sor.u32 $0xD0000000, s2;
	s6 =	simm.s32 $0x108;
	_ =	swait.ge @!p0 [sflag:s8], $0x0  }
0x24: {  	s3 =	sadd.s32 $0x88, s3;
	s6 =	simm.s32 @!p1 $0x1082;
	[sflag:s4] =	ssyncset.s32 $0xFFFFF086  }
0x25: {  	[simem:s6], [sflag:s4] =	dma.local [hbm:s3], $0xF7A  }
0x26: {  	[smem:$0x3F9E] =	sst s1;
	(tag) =	ssettag s2;
	_ =	strace s9  }
0x27: {  	s1 =	sld [smem:$0x3FAE]  }
0x28: {  	s2 =	sld [smem:$0x3FAF]  }
0x29: {  	s4 =	sld [smem:$0x3FB1]  }
0x2a: {  	p0 =	seq.s32 s5, $0x0;
	s5 =	sld [smem:$0x3FB2]  }
0x2b: {  	s6 =	sld [smem:$0x3FB3]  }
0x2c: {  	s7 =	sld [smem:$0x3FB4]  }
0x2d: {  	s3 =	simm.s32 $0x108;
	s8 =	sld [smem:$0x3FB5]  }
0x2e: {  	s3 =	simm.s32 @!p0 $0x1082;
	s9 =	sld [smem:$0x3FB6]  }
0x2f: {  	lr =	sadd.s32 s0, s3;
	s0 =	sld [smem:$0x3FAD]  }
0x30: {  	s3 =	sld [smem:$0x3FB0]  }
0x31: {  	[smem:$0x3FB9] =	sst s10  }
0x32: {  	s10 =	sld [smem:$0x3FB7];
	_ =	sdelay $0x3  }
0x33: {  	p0 =	seq.s32 s10, $0x1;
	s10 =	sld [smem:$0x3FB9];
	_ =	sdelay $0x3  }
0x34: {  	[smem:$0x3FB9] =	sst s10  }
0x35: {  	s10 =	sld [smem:$0x3FB8];
	_ =	sdelay $0x3  }
0x36: {  	p1 =	seq.s32 s10, $0x1;
	s10 =	sld [smem:$0x3FB9];
	_ =	sdelay $0x3  }
0x37: {  	[smem:$0x3FB9] =	sst s10  }
0x38: {  	s10 =	sld [smem:$0x3FBA]  }
0x39: {  	_ = 	snop;
	(pc) =	sbr.ind lr, $3  }
0x3a: {  	_ = 	snop  }
0x3b: {  	_ = 	snop  }
0x3c: {  	p2 =	seq.s32 s10, $0x1;
	s10 =	sld [smem:$0x3FB9]  }
0x3d: {  	_ =	shalt  }
0x3e: {  	_ =	shalt  }
0x3f: {  	_ =	shalt  }
0x40: {  	_ =	shalt  }
0x41: {  	_ =	shalt  }
0x42: {  	_ =	shalt  }
0x43: {  	_ =	shalt  }
0x44: {  	_ =	shalt  }
0x45: {  	_ =	shalt  }
0x46: {  	_ =	shalt  }
0x47: {  	_ =	shalt  }
0x48: {  	_ =	shalt  }
0x49: {  	_ =	shalt  }
0x4a: {  	_ =	shalt  }
0x4b: {  	_ =	shalt  }
0x4c: {  	_ =	shalt  }
0x4d: {  	_ =	shalt  }
0x4e: {  	_ =	shalt  }
0x4f: {  	_ =	shalt  }
0x50: {  	_ =	shalt  }
0x51: {  	_ =	shalt  }
0x52: {  	_ =	shalt  }
0x53: {  	_ =	shalt  }
0x54: {  	_ =	shalt  }
0x55: {  	_ =	shalt  }
0x56: {  	_ =	shalt  }
0x57: {  	_ =	shalt  }
0x58: {  	_ =	shalt  }
0x59: {  	_ =	shalt  }
0x5a: {  	_ =	shalt  }
0x5b: {  	_ =	shalt  }
0x5c: {  	_ =	shalt  }
0x5d: {  	_ =	shalt  }
0x5e: {  	_ =	shalt  }
0x5f: {  	_ =	shalt  }
0x60: {  	_ =	shalt  }
0x61: {  	_ =	shalt  }
0x62: {  	_ =	shalt  }
0x63: {  	_ =	shalt  }
0x64: {  	_ =	shalt  }
0x65: {  	_ =	shalt  }
0x66: {  	_ =	shalt  }
0x67: {  	_ =	shalt  }
0x68: {  	_ =	shalt  }
0x69: {  	_ =	shalt  }
0x6a: {  	_ =	shalt  }
0x6b: {  	_ =	shalt  }
0x6c: {  	_ =	shalt  }
0x6d: {  	_ =	shalt  }
0x6e: {  	_ =	shalt  }
0x6f: {  	_ =	shalt  }
0x70: {  	_ =	shalt  }
0x71: {  	_ =	shalt  }
0x72: {  	_ =	shalt  }
0x73: {  	_ =	shalt  }
0x74: {  	_ =	shalt  }
0x75: {  	_ =	shalt  }
0x76: {  	_ =	shalt  }
0x77: {  	_ =	shalt  }
0x78: {  	_ =	shalt  }
0x79: {  	_ =	shalt  }
0x7a: {  	_ =	shalt  }
0x7b: {  	_ =	shalt  }
0x7c: {  	_ =	shalt  }
0x7d: {  	_ =	shalt  }
0x7e: {  	_ =	shalt  }
0x7f: {  	_ =	shalt  }
0x80: {  	_ =	shalt  }
0x81: {  	_ =	shalt  }
0x82: {  	_ =	shalt  }
0x83: {  	_ =	shalt  }
0x84: {  	_ =	shalt  }
0x85: {  	_ =	shalt  }
0x86: {  	_ =	shalt  }
0x87: {  	_ =	shalt  }
.Lfunc_end0:
.L_simem_size_0:
called_computation_lowered:
.L_overlay_start_0:
0x88: {  	s2 =	sld [smem:$0x3FD9]  }
0x89: {  	s3 =	sld [smem:$0x3FFE];
	_ =	sdelay $0x1  }
0x8a: {  	s1 =	srdreg.scid  }
0x8b: {  	s0 =	sand.u32 $0x1, s1  }
0x8c: {  	s17 =	sshll.u32 s0, $0xA;
	s2 =	sadd.s32 s3, s2  }
0x8d: {  	s2 =	sadd.s32 s2, s17  }
0x8e: {  	[smem:$0x3FC5] =	sst s2  }
0x8f: {  	_ = 	snop  }
0x90: {  	s2 =	sld [smem:$0x3FC7]  }
0x91: {  	s18 =	sld [smem:$0x3FD0];
	(tm) =	ssettm $0x1  }
0x92: {  	s4 =	sld [smem:$0x3FFB];
	_ =	sdelay $0x3  }
0x93: {  	_ =	strace s4  }
0x94: {  	s4 =	sld [smem:$0x3FFC];
	_ =	sdelay $0x3  }
0x95: {  	_ =	strace s4  }
0x96: {  	s4 =	sld [smem:$0x3FFD];
	_ =	sdelay $0x3  }
0x97: {  	_ =	strace s4  }
0x98: {  	_ =	strace $0x8FFFFFFF  }
0x99: {  	s19 =	sld [smem:$0x3FDB];
	_ =	sdelay $0x1  }
0x9a: {  	s5 =	simm.s32 $_scs_section_size  }
0x9b: {  	s6 =	simm.s32 $_size__tile_overlayer_lowered;
	s7 =	simm.s32 $_tile_overlayer_lowered  }
0x9c: {  	s22 =	simm.s32 $0x1BFF;
	s21 =	sshll.u32 s7, $0x1;
	s4 =	sadd.s32 s5, s19  }
0x9d: {  	s8 =	simm.s32 $0x0;
	s20 =	sshll.u32 s6, $0x1;
	s6 =	sadd.s32 s21, s4  }
0x9e: {  	[timem:s8], [sflag:s22] =	dma.local [hbm:s6], s20  }
0x9f: {  	_ =	swait.ge [sflag:s22], s20  }
0xa0: {  	s5 =	ssub.s32 $0x0, s20;
	[sflag:s22] =	ssyncset.done $0x0  }
0xa1: {  	[sflag:s22] =	ssyncadd.s32 s5;
	_ =	sdelay $0x1  }
0xa2: {  	s23 =	simm.s32 $0x1B8B  }
0xa3: {  	_ =	swait.ge [sflag:s23], $0x1  }
0xa4: {  	[sflag:s23] =	ssyncset.done $0x0  }
0xa5: {  	s25 =	simm.s32 $0x1B8E;
	s24 =	sld [smem:$0x3FFE];
	[sflag:s23] =	ssyncadd.s32 $0xFFFFFFFF  }
0xa6: {  	s26 =	simm.s32 $execute0_lowered;
	[smem:$0x3FD2] =	sst s25  }
0xa7: {  	s6 =	sshll.u32 s26, $0x1;
	_ =	strace $0x80000046;
	[dreg:$0x1] =	wrdreg $0xFFFFFFFF  }
0xa8: {  	s28 =	simm.s32 $_size_execute0_lowered;
	s4 =	sadd.s32 s4, s6;
	[dreg:$0x0] =	wrdreg $0x0  }
0xa9: {  	s6 =	sshll.u32 s28, $0x1;
	[dreg:$0x2] =	wrdreg s4  }
0xaa: {  	[dreg:$0x3] =	wrdreg s6  }
0xab: {  	[dreg:$0x4] =	wrdreg $0xC0  }
0xac: {  	_ =	task [dreg:s8], $0x5FFFF  }
0xad: {  	[dreg:$0x1] =	wrdreg $0xFFFFFFFF  }
0xae: {  	[dreg:$0x0] =	wrdreg $0x60  }
0xaf: {  	[dreg:$0x2] =	wrdreg s24  }
0xb0: {  	[dreg:$0x3] =	wrdreg s2  }
0xb1: {  	[dreg:$0x4] =	wrdreg s18  }
0xb2: {  	[dreg:$0x5] =	wrdreg $0x9  }
0xb3: {  	_ =	task.clear_ibuf [dreg:s8], $0x6FFFF;
	_ =	strace $0x90000046  }
0xb4: {  	s29 =	simm.s32 $0x9;
	_ =	strace $0x80000048  }
0xb5: {  	_ =	swait.ge [sflag:s29], $0x1  }
0xb6: {  	[sflag:s29] =	ssyncadd.s32 $0xFFFFFFFF  }
0xb7: {  	_ =	strace $0x90000048  }
0xb8: {  	_ =	sfence  }
0xb9: {  	s30 =	sld [smem:$0x0];
	_ =	sdelay $0x2  }
0xba: {  	s31 =	sshll.u32 s1, $0xD;
	s1 =	sshrl.u32 s1, $0x2  }
0xbb: {  	s3 =	sand.u32 $0x4000, s31;
	s1 =	sadd.s32 s1, s30  }
0xbc: {  	s0 =	sor.u32 s3, s0;
	s1 =	sshll.u32 s1, $0x11  }
0xbd: {  	s0 =	sor.u32 s1, s0  }
0xbe: {  	s0 =	sadd.s32 $0x8F2B, s0  }
0xbf: {  	[sflag:s0] =	ssyncadd.remote.s32 $0x1  }
0xc0: {  	_ =	sfence.sel $0xFFFF  }
0xc1: {  	[dreg:$0x0] =	wrdreg $0xFFFFFFFF;
	(pc) =	sbr.abs _section_cstart, $3  }
0xc2: {  	[dreg:$0x1] =	wrdreg $0xFFFFFFFF  }
0xc3: {  	_ =	task.clear_ibuf [dreg:s8], $0x2FFFF;
	_ =	strace $0x9FFFFFFF  }
0xc4: {  	(tm) =	ssettm $0x7FFFFFFF  }
0xc5: {  	_ =	shalt  }
tec
execute0_lowered:
.L_overlay_start_1:
0x0: {  	(tag) =	ssettag $0x1  }
0x1: {  	s3 =	rddreg [dreg:$0x0]  }
0x2: {  	s5 =	rddreg [dreg:$0x1]  }
0x3: {  	s4 =	rddreg [dreg:$0x2]  }
0x4: {  	s2 =	srdreg.scid;
	s0 =	rddreg [dreg:$0x3]  }
0x5: {  	s1 =	stileid.u32;
	s11 =	simm.s32 $0x4000;
	s12 =	simm.s32 $0x8100  }
0x6: {  	s13 =	simm.s32 $0x1;
	s14 =	simm.s32 $0xC100;
	s15 =	simm.s32 $0x0  }
0x7: {  	v0 =	vlaneseq.u32;
	s6 =	sand.u32 $0x1, s2;
	s2 =	simm.s32 $0x0;
	s7 =	sshll.u32 s1, $0x9  }
0x8: {  	s9 =	sshll.u32 s1, $0xC;
	v0 =	vmul.u32 $0x80, v0;
	s8 =	sshll.u32 s6, $0x8;
	[smem:$0x7FF] =	sst s2  }
0x9: {  	s6 =	ssub.s32 $0x2, s6;
	s9 =	sand.u32 $0xC000, s9;
	s7 =	sor.u32 s8, s7  }
0xa: {  	_ =	strace $0x80000047;
	s10 =	sshrl.u32 s6, $0x1;
	s31 =	sadd.s32 s4, s9;
	v1 =	vor.u32 $0x800, v0;
	v2 =	vor.u32 $0x1000, v0;
	v3 =	vor.u32 $0x1800, v0  }
0xb: {  	v4 =	vor.u32 $0x2000, v0;
	v5 =	vor.u32 $0x2800, v0;
	v6 =	vor.u32 $0x3000, v0;
	s9 =	simm.s32 $0x100;
	s8 =	sshrl.u32 s7, $0x3;
	s10 =	ssub.s32 s6, s10  }
0xc: {  	v7 =	vor.u32 $0x3800, v0;
	v8 =	vor.u32 $0x4000, v0;
	v9 =	vor.u32 $0x4800, v0;
	s30 =	sand.u32 $0x700, s7;
	s8 =	sadd.s32 s8, s3;
	s3 =	sadd.s32 $0xF42E00, s3  }
0xd: {  	v10 =	vor.u32 $0x5000, v0;
	v11 =	vor.u32 $0x5800, v0;
	v12 =	vor.u32 $0x6000, v0;
	s5 =	sadd.s32 s5, s30;
	s6 =	sadd.s32 s30, s31;
	s7 =	smax.u32 s10, $0x1  }
0xe: {  	v13 =	vor.u32 $0x6800, v0;
	v14 =	vor.u32 $0x7000, v0;
	v15 =	vor.u32 $0x7800, v0;
	s10 =	simm.s32 $0x800;
	s4 =	sadd.s32 $0xF42A00, s8;
	s8 =	simm.s32 $0x2  }
.LBB2_1:
0xf: {  	[tilespmem:s2], [sflag:$0x2] =	stream.linear.gather [hbm4b:s4+s2], $0x100, $0x38;
	[tilespmem:$0x10100] =	vst v63  }
0x10: {  	_ =	swait.ge [sflag:s8], $0x100  }
0x11: {  	[sflag:s8] =	ssyncset.done $0x0  }
0x12: {  	[sflag:s8] =	ssyncadd.s32 $0xFFFFFF00  }
0x13: {  	[tilespmem:s9], [sflag:$0x1] =	stream.indirect.gather [hbm4b:s3+s9], $0x80, s2, s9, $0xb8;
	[tilespmem:$0x10100] =	vst v63  }
0x14: {  	_ = 	snop  }
0x15: {  	[tilespmem:s12], [sflag:$0x2] =	stream.strided.gather [hbm4b:s5+s10], $0x4000, s11, s10, $0x38;
	[tilespmem:$0x10100] =	vst v63  }
0x16: {  	v16 =	vimm.s32 $0x0;
	_ =	swait.ge [sflag:s8], $0x4000  }
0x17: {  	v17 =	vadd.s32 v0, v16;
	[sflag:s8] =	ssyncset.done $0x0  }
0x18: {  	[sflag:s8] =	ssyncadd.s32 $0xFFFFC000  }
0x19: {  	_ =	swait.ge [sflag:s13], $0x8000  }
0x1a: {  	[sflag:s13] =	ssyncset.done $0x0  }
0x1b: {  	s16 =	sand.u32 $0x3800, s2;
	s17 =	sand.u32 $0x380, s2;
	[sflag:s13] =	ssyncadd.s32 $0xFFFF8000  }
0x1c: {  	s16 =	sor.u32 s17, s16;
	v17 =	vld.idx.msk [tilespmem:v17+s9+$0x0], $0xffff  }
0x1d: {  	v18 =	vld [tilespmem:s16+$0x8100];
	_ =	sdelay $0x2  }
0x1e: {  	v19 =	vadd.s32 v1, v16;
	_ =	sdelay $0x1  }
0x1f: {  	v17 =	vadd.f32 v18, v17;
	_ =	sdelay $0x1  }
0x20: {  	v18 =	vld [tilespmem:s16+$0x8110];
	[tilespmem:s16+$0xC100] =	vst v17  }
0x21: {  	v17 =	vld.idx.msk [tilespmem:v19+s9+$0x0], $0xffff;
	_ =	sdelay $0x2  }
0x22: {  	v19 =	vadd.s32 v2, v16;
	_ =	sdelay $0x1  }
0x23: {  	v17 =	vadd.f32 v18, v17;
	_ =	sdelay $0x1  }
0x24: {  	v18 =	vld [tilespmem:s16+$0x8120];
	[tilespmem:s16+$0xC110] =	vst v17  }
0x25: {  	v17 =	vld.idx.msk [tilespmem:v19+s9+$0x0], $0xffff;
	_ =	sdelay $0x2  }
0x26: {  	v19 =	vadd.s32 v3, v16;
	_ =	sdelay $0x1  }
0x27: {  	v17 =	vadd.f32 v18, v17;
	_ =	sdelay $0x1  }
0x28: {  	v18 =	vld [tilespmem:s16+$0x8130];
	[tilespmem:s16+$0xC120] =	vst v17  }
0x29: {  	v17 =	vld.idx.msk [tilespmem:v19+s9+$0x0], $0xffff;
	_ =	sdelay $0x2  }
0x2a: {  	v19 =	vadd.s32 v4, v16;
	_ =	sdelay $0x1  }
0x2b: {  	v17 =	vadd.f32 v18, v17;
	_ =	sdelay $0x1  }
0x2c: {  	v18 =	vld [tilespmem:s16+$0x8140];
	[tilespmem:s16+$0xC130] =	vst v17  }
0x2d: {  	v17 =	vld.idx.msk [tilespmem:v19+s9+$0x0], $0xffff;
	_ =	sdelay $0x2  }
0x2e: {  	v19 =	vadd.s32 v5, v16;
	_ =	sdelay $0x1  }
0x2f: {  	v17 =	vadd.f32 v18, v17;
	_ =	sdelay $0x1  }
0x30: {  	v18 =	vld [tilespmem:s16+$0x8150];
	[tilespmem:s16+$0xC140] =	vst v17  }
0x31: {  	v17 =	vld.idx.msk [tilespmem:v19+s9+$0x0], $0xffff;
	_ =	sdelay $0x2  }
0x32: {  	v19 =	vadd.s32 v6, v16;
	_ =	sdelay $0x1  }
0x33: {  	v17 =	vadd.f32 v18, v17;
	_ =	sdelay $0x1  }
0x34: {  	v18 =	vld [tilespmem:s16+$0x8160];
	[tilespmem:s16+$0xC150] =	vst v17  }
0x35: {  	v17 =	vld.idx.msk [tilespmem:v19+s9+$0x0], $0xffff;
	_ =	sdelay $0x2  }
0x36: {  	v19 =	vadd.s32 v7, v16;
	_ =	sdelay $0x1  }
0x37: {  	v17 =	vadd.f32 v18, v17;
	_ =	sdelay $0x1  }
0x38: {  	v18 =	vld [tilespmem:s16+$0x8170];
	[tilespmem:s16+$0xC160] =	vst v17  }
0x39: {  	v17 =	vld.idx.msk [tilespmem:v19+s9+$0x0], $0xffff;
	_ =	sdelay $0x2  }
0x3a: {  	v19 =	vadd.s32 v8, v16;
	_ =	sdelay $0x1  }
0x3b: {  	v17 =	vadd.f32 v18, v17;
	_ =	sdelay $0x1  }
0x3c: {  	v18 =	vld [tilespmem:s16+$0x8500];
	[tilespmem:s16+$0xC170] =	vst v17  }
0x3d: {  	v17 =	vld.idx.msk [tilespmem:v19+s9+$0x0], $0xffff;
	_ =	sdelay $0x2  }
0x3e: {  	v19 =	vadd.s32 v9, v16;
	_ =	sdelay $0x1  }
0x3f: {  	v17 =	vadd.f32 v18, v17;
	_ =	sdelay $0x1  }
0x40: {  	v18 =	vld [tilespmem:s16+$0x8510];
	[tilespmem:s16+$0xC500] =	vst v17  }
0x41: {  	v17 =	vld.idx.msk [tilespmem:v19+s9+$0x0], $0xffff;
	_ =	sdelay $0x2  }
0x42: {  	v19 =	vadd.s32 v10, v16;
	_ =	sdelay $0x1  }
0x43: {  	v17 =	vadd.f32 v18, v17;
	_ =	sdelay $0x1  }
0x44: {  	v18 =	vld [tilespmem:s16+$0x8520];
	[tilespmem:s16+$0xC510] =	vst v17  }
0x45: {  	v17 =	vld.idx.msk [tilespmem:v19+s9+$0x0], $0xffff;
	_ =	sdelay $0x2  }
0x46: {  	v19 =	vadd.s32 v11, v16;
	_ =	sdelay $0x1  }
0x47: {  	v17 =	vadd.f32 v18, v17;
	_ =	sdelay $0x1  }
0x48: {  	v18 =	vld [tilespmem:s16+$0x8530];
	[tilespmem:s16+$0xC520] =	vst v17  }
0x49: {  	v17 =	vld.idx.msk [tilespmem:v19+s9+$0x0], $0xffff;
	_ =	sdelay $0x2  }
0x4a: {  	v19 =	vadd.s32 v12, v16;
	_ =	sdelay $0x1  }
0x4b: {  	v17 =	vadd.f32 v18, v17;
	_ =	sdelay $0x1  }
0x4c: {  	v18 =	vld [tilespmem:s16+$0x8540];
	[tilespmem:s16+$0xC530] =	vst v17  }
0x4d: {  	v17 =	vld.idx.msk [tilespmem:v19+s9+$0x0], $0xffff;
	_ =	sdelay $0x2  }
0x4e: {  	v19 =	vadd.s32 v13, v16;
	_ =	sdelay $0x1  }
0x4f: {  	v17 =	vadd.f32 v18, v17;
	_ =	sdelay $0x1  }
0x50: {  	v18 =	vld [tilespmem:s16+$0x8550];
	[tilespmem:s16+$0xC540] =	vst v17  }
0x51: {  	v17 =	vld.idx.msk [tilespmem:v19+s9+$0x0], $0xffff;
	_ =	sdelay $0x2  }
0x52: {  	v19 =	vadd.s32 v14, v16;
	_ =	sdelay $0x1  }
0x53: {  	v17 =	vadd.f32 v18, v17;
	_ =	sdelay $0x1  }
0x54: {  	v18 =	vld [tilespmem:s16+$0x8560];
	[tilespmem:s16+$0xC550] =	vst v17  }
0x55: {  	v17 =	vld.idx.msk [tilespmem:v19+s9+$0x0], $0xffff;
	_ =	sdelay $0x2  }
0x56: {  	v19 =	vadd.s32 v15, v16;
	_ =	sdelay $0x1  }
0x57: {  	v17 =	vadd.f32 v18, v17;
	_ =	sdelay $0x1  }
0x58: {  	[tilespmem:s16+$0xC560] =	vst v17  }
0x59: {  	v18 =	vld.idx.msk [tilespmem:v19+s9+$0x0], $0xffff  }
0x5a: {  	v19 =	vld [tilespmem:s16+$0x8570];
	_ =	sdelay $0x1  }
0x5b: {  	v16 =	vadd.s32 $0x1, v16  }
0x5c: {  	s19 =	simm.s32 $0x200;
	s18 =	simm.s32 $0x0;
	s17 =	simm.s32 $0x100;
	v17 =	vadd.s32 v0, v16  }
.LBB2_2:
0x5d: {  	p0 =	sne.s32 s19, $0x3F00  }
0x5e: {  	v18 =	vadd.f32 v19, v18  }
0x5f: {  	s18 =	sadd.s32 $0x80, s18  }
0x60: {  	s20 =	sand.u32 $0x3800, s17;
	s17 =	smov.u32 s19;
	s21 =	sand.u32 $0x380, s18;
	[tilespmem:s16+$0xC570] =	vst v18  }
0x61: {  	s16 =	sor.u32 s21, s20;
	v17 =	vld.idx.msk [tilespmem:v17+s9+$0x0], $0xffff  }
0x62: {  	v18 =	vld [tilespmem:s16+$0x8100];
	_ =	sdelay $0x2  }
0x63: {  	v19 =	vadd.s32 v1, v16;
	_ =	sdelay $0x1  }
0x64: {  	v17 =	vadd.f32 v18, v17;
	_ =	sdelay $0x1  }
0x65: {  	[tilespmem:s16+$0xC100] =	vst v17  }
0x66: {  	v17 =	vld.idx.msk [tilespmem:v19+s9+$0x0], $0xffff  }
0x67: {  	v18 =	vld [tilespmem:s16+$0x8110];
	_ =	sdelay $0x2  }
0x68: {  	v19 =	vadd.s32 v2, v16;
	_ =	sdelay $0x1  }
0x69: {  	v17 =	vadd.f32 v18, v17;
	_ =	sdelay $0x1  }
0x6a: {  	[tilespmem:s16+$0xC110] =	vst v17  }
0x6b: {  	v17 =	vld.idx.msk [tilespmem:v19+s9+$0x0], $0xffff  }
0x6c: {  	v18 =	vld [tilespmem:s16+$0x8120];
	_ =	sdelay $0x2  }
0x6d: {  	v19 =	vadd.s32 v3, v16;
	_ =	sdelay $0x1  }
0x6e: {  	v17 =	vadd.f32 v18, v17;
	_ =	sdelay $0x1  }
0x6f: {  	[tilespmem:s16+$0xC120] =	vst v17  }
0x70: {  	v17 =	vld.idx.msk [tilespmem:v19+s9+$0x0], $0xffff  }
0x71: {  	v18 =	vld [tilespmem:s16+$0x8130];
	_ =	sdelay $0x2  }
0x72: {  	v19 =	vadd.s32 v4, v16;
	_ =	sdelay $0x1  }
0x73: {  	v17 =	vadd.f32 v18, v17;
	_ =	sdelay $0x1  }
0x74: {  	[tilespmem:s16+$0xC130] =	vst v17  }
0x75: {  	v17 =	vld.idx.msk [tilespmem:v19+s9+$0x0], $0xffff  }
0x76: {  	v18 =	vld [tilespmem:s16+$0x8140];
	_ =	sdelay $0x2  }
0x77: {  	v19 =	vadd.s32 v5, v16;
	_ =	sdelay $0x1  }
0x78: {  	v17 =	vadd.f32 v18, v17;
	_ =	sdelay $0x1  }
0x79: {  	[tilespmem:s16+$0xC140] =	vst v17  }
0x7a: {  	v17 =	vld.idx.msk [tilespmem:v19+s9+$0x0], $0xffff  }
0x7b: {  	v18 =	vld [tilespmem:s16+$0x8150];
	_ =	sdelay $0x2  }
0x7c: {  	v19 =	vadd.s32 v6, v16;
	_ =	sdelay $0x1  }
0x7d: {  	v17 =	vadd.f32 v18, v17;
	_ =	sdelay $0x1  }
0x7e: {  	[tilespmem:s16+$0xC150] =	vst v17  }
0x7f: {  	v17 =	vld.idx.msk [tilespmem:v19+s9+$0x0], $0xffff  }
0x80: {  	v18 =	vld [tilespmem:s16+$0x8160];
	_ =	sdelay $0x2  }
0x81: {  	v19 =	vadd.s32 v7, v16;
	_ =	sdelay $0x1  }
0x82: {  	v17 =	vadd.f32 v18, v17;
	_ =	sdelay $0x1  }
0x83: {  	[tilespmem:s16+$0xC160] =	vst v17  }
0x84: {  	v17 =	vld.idx.msk [tilespmem:v19+s9+$0x0], $0xffff  }
0x85: {  	v18 =	vld [tilespmem:s16+$0x8170];
	_ =	sdelay $0x2  }
0x86: {  	v19 =	vadd.s32 v8, v16;
	_ =	sdelay $0x1  }
0x87: {  	v17 =	vadd.f32 v18, v17;
	_ =	sdelay $0x1  }
0x88: {  	[tilespmem:s16+$0xC170] =	vst v17  }
0x89: {  	v17 =	vld.idx.msk [tilespmem:v19+s9+$0x0], $0xffff  }
0x8a: {  	v18 =	vld [tilespmem:s16+$0x8500];
	_ =	sdelay $0x2  }
0x8b: {  	v19 =	vadd.s32 v9, v16;
	_ =	sdelay $0x1  }
0x8c: {  	v17 =	vadd.f32 v18, v17;
	_ =	sdelay $0x1  }
0x8d: {  	[tilespmem:s16+$0xC500] =	vst v17  }
0x8e: {  	v17 =	vld.idx.msk [tilespmem:v19+s9+$0x0], $0xffff  }
0x8f: {  	v18 =	vld [tilespmem:s16+$0x8510];
	_ =	sdelay $0x2  }
0x90: {  	v19 =	vadd.s32 v10, v16;
	_ =	sdelay $0x1  }
0x91: {  	v17 =	vadd.f32 v18, v17;
	_ =	sdelay $0x1  }
0x92: {  	[tilespmem:s16+$0xC510] =	vst v17  }
0x93: {  	v17 =	vld.idx.msk [tilespmem:v19+s9+$0x0], $0xffff  }
0x94: {  	v18 =	vld [tilespmem:s16+$0x8520];
	_ =	sdelay $0x2  }
0x95: {  	v19 =	vadd.s32 v11, v16;
	_ =	sdelay $0x1  }
0x96: {  	v17 =	vadd.f32 v18, v17;
	_ =	sdelay $0x1  }
0x97: {  	[tilespmem:s16+$0xC520] =	vst v17  }
0x98: {  	v17 =	vld.idx.msk [tilespmem:v19+s9+$0x0], $0xffff  }
0x99: {  	v18 =	vld [tilespmem:s16+$0x8530];
	_ =	sdelay $0x2  }
0x9a: {  	v19 =	vadd.s32 v12, v16;
	_ =	sdelay $0x1  }
0x9b: {  	v17 =	vadd.f32 v18, v17;
	_ =	sdelay $0x1  }
0x9c: {  	[tilespmem:s16+$0xC530] =	vst v17  }
0x9d: {  	v17 =	vld.idx.msk [tilespmem:v19+s9+$0x0], $0xffff  }
0x9e: {  	v18 =	vld [tilespmem:s16+$0x8540];
	_ =	sdelay $0x2  }
0x9f: {  	v19 =	vadd.s32 v13, v16;
	_ =	sdelay $0x1  }
0xa0: {  	v17 =	vadd.f32 v18, v17;
	_ =	sdelay $0x1  }
0xa1: {  	[tilespmem:s16+$0xC540] =	vst v17  }
0xa2: {  	v17 =	vld.idx.msk [tilespmem:v19+s9+$0x0], $0xffff  }
0xa3: {  	v18 =	vld [tilespmem:s16+$0x8550];
	_ =	sdelay $0x2  }
0xa4: {  	v19 =	vadd.s32 v14, v16;
	_ =	sdelay $0x1  }
0xa5: {  	v17 =	vadd.f32 v18, v17;
	_ =	sdelay $0x1  }
0xa6: {  	[tilespmem:s16+$0xC550] =	vst v17  }
0xa7: {  	v17 =	vld.idx.msk [tilespmem:v19+s9+$0x0], $0xffff  }
0xa8: {  	v18 =	vld [tilespmem:s16+$0x8560];
	_ =	sdelay $0x2  }
0xa9: {  	v19 =	vadd.s32 v15, v16;
	_ =	sdelay $0x1  }
0xaa: {  	v17 =	vadd.f32 v18, v17;
	_ =	sdelay $0x1  }
0xab: {  	[tilespmem:s16+$0xC560] =	vst v17  }
.Ltmp0:
0xac: {  	v18 =	vld.idx.msk [tilespmem:v19+s9+$0x0], $0xffff;
	(pc) =	sbr.rel @p0 .LBB2_2-.Ltmp0, $3  }
0xad: {  	v19 =	vld [tilespmem:s16+$0x8570];
	_ =	sdelay $0x1  }
0xae: {  	v16 =	vadd.s32 $0x1, v16  }
0xaf: {  	s19 =	sadd.s32 $0x100, s19;
	v17 =	vadd.s32 v0, v16  }
0xb0: {  	_ = 	snop  }
0xb1: {  	v18 =	vadd.f32 v19, v18  }
0xb2: {  	s18 =	sadd.s32 $0x80, s18  }
0xb3: {  	s17 =	sand.u32 $0x3800, s17;
	s18 =	sand.u32 $0x380, s18;
	[tilespmem:s16+$0xC570] =	vst v18  }
0xb4: {  	s31 =	sor.u32 s18, s17;
	v17 =	vld.idx.msk [tilespmem:v17+s9+$0x0], $0xffff  }
0xb5: {  	v18 =	vld [tilespmem:s31+$0x8100];
	_ =	sdelay $0x2  }
0xb6: {  	v36 =	vadd.s32 v1, v16;
	_ =	sdelay $0x1  }
0xb7: {  	v17 =	vadd.f32 v18, v17;
	_ =	sdelay $0x1  }
0xb8: {  	v37 =	vld [tilespmem:s31+$0x8110];
	[tilespmem:s31+$0xC100] =	vst v17  }
0xb9: {  	v17 =	vld.idx.msk [tilespmem:v36+s9+$0x0], $0xffff;
	_ =	sdelay $0x2  }
0xba: {  	v38 =	vadd.s32 v2, v16;
	_ =	sdelay $0x1  }
0xbb: {  	v17 =	vadd.f32 v37, v17;
	_ =	sdelay $0x1  }
0xbc: {  	v39 =	vld [tilespmem:s31+$0x8120];
	[tilespmem:s31+$0xC110] =	vst v17  }
0xbd: {  	v17 =	vld.idx.msk [tilespmem:v38+s9+$0x0], $0xffff;
	_ =	sdelay $0x2  }
0xbe: {  	v40 =	vadd.s32 v3, v16;
	_ =	sdelay $0x1  }
0xbf: {  	v17 =	vadd.f32 v39, v17;
	_ =	sdelay $0x1  }
0xc0: {  	v41 =	vld [tilespmem:s31+$0x8130];
	[tilespmem:s31+$0xC120] =	vst v17  }
0xc1: {  	v17 =	vld.idx.msk [tilespmem:v40+s9+$0x0], $0xffff;
	_ =	sdelay $0x2  }
0xc2: {  	v42 =	vadd.s32 v4, v16;
	_ =	sdelay $0x1  }
0xc3: {  	v17 =	vadd.f32 v41, v17;
	_ =	sdelay $0x1  }
0xc4: {  	v43 =	vld [tilespmem:s31+$0x8140];
	[tilespmem:s31+$0xC130] =	vst v17  }
0xc5: {  	v17 =	vld.idx.msk [tilespmem:v42+s9+$0x0], $0xffff;
	_ =	sdelay $0x2  }
0xc6: {  	v44 =	vadd.s32 v5, v16;
	_ =	sdelay $0x1  }
0xc7: {  	v17 =	vadd.f32 v43, v17;
	_ =	sdelay $0x1  }
0xc8: {  	v45 =	vld [tilespmem:s31+$0x8150];
	[tilespmem:s31+$0xC140] =	vst v17  }
0xc9: {  	v17 =	vld.idx.msk [tilespmem:v44+s9+$0x0], $0xffff;
	_ =	sdelay $0x2  }
0xca: {  	v46 =	vadd.s32 v6, v16;
	_ =	sdelay $0x1  }
0xcb: {  	v17 =	vadd.f32 v45, v17;
	_ =	sdelay $0x1  }
0xcc: {  	v47 =	vld [tilespmem:s31+$0x8160];
	[tilespmem:s31+$0xC150] =	vst v17  }
0xcd: {  	v17 =	vld.idx.msk [tilespmem:v46+s9+$0x0], $0xffff;
	_ =	sdelay $0x2  }
0xce: {  	v48 =	vadd.s32 v7, v16;
	_ =	sdelay $0x1  }
0xcf: {  	v17 =	vadd.f32 v47, v17;
	_ =	sdelay $0x1  }
0xd0: {  	v49 =	vld [tilespmem:s31+$0x8170];
	[tilespmem:s31+$0xC160] =	vst v17  }
0xd1: {  	v17 =	vld.idx.msk [tilespmem:v48+s9+$0x0], $0xffff;
	_ =	sdelay $0x2  }
0xd2: {  	v50 =	vadd.s32 v8, v16;
	_ =	sdelay $0x1  }
0xd3: {  	v17 =	vadd.f32 v49, v17;
	_ =	sdelay $0x1  }
0xd4: {  	v51 =	vld [tilespmem:s31+$0x8500];
	[tilespmem:s31+$0xC170] =	vst v17  }
0xd5: {  	v17 =	vld.idx.msk [tilespmem:v50+s9+$0x0], $0xffff;
	_ =	sdelay $0x2  }
0xd6: {  	v52 =	vadd.s32 v9, v16;
	_ =	sdelay $0x1  }
0xd7: {  	v17 =	vadd.f32 v51, v17;
	_ =	sdelay $0x1  }
0xd8: {  	v53 =	vld [tilespmem:s31+$0x8510];
	[tilespmem:s31+$0xC500] =	vst v17  }
0xd9: {  	v17 =	vld.idx.msk [tilespmem:v52+s9+$0x0], $0xffff;
	_ =	sdelay $0x2  }
0xda: {  	v54 =	vadd.s32 v10, v16;
	_ =	sdelay $0x1  }
0xdb: {  	v17 =	vadd.f32 v53, v17;
	_ =	sdelay $0x1  }
0xdc: {  	v55 =	vld [tilespmem:s31+$0x8520];
	[tilespmem:s31+$0xC510] =	vst v17  }
0xdd: {  	v17 =	vld.idx.msk [tilespmem:v54+s9+$0x0], $0xffff;
	_ =	sdelay $0x2  }
0xde: {  	v56 =	vadd.s32 v11, v16;
	_ =	sdelay $0x1  }
0xdf: {  	v17 =	vadd.f32 v55, v17;
	_ =	sdelay $0x1  }
0xe0: {  	v57 =	vld [tilespmem:s31+$0x8530];
	[tilespmem:s31+$0xC520] =	vst v17  }
0xe1: {  	v17 =	vld.idx.msk [tilespmem:v56+s9+$0x0], $0xffff;
	_ =	sdelay $0x2  }
0xe2: {  	v58 =	vadd.s32 v12, v16;
	_ =	sdelay $0x1  }
0xe3: {  	v17 =	vadd.f32 v57, v17;
	_ =	sdelay $0x1  }
0xe4: {  	v59 =	vld [tilespmem:s31+$0x8540];
	[tilespmem:s31+$0xC530] =	vst v17  }
0xe5: {  	v17 =	vld.idx.msk [tilespmem:v58+s9+$0x0], $0xffff;
	_ =	sdelay $0x2  }
0xe6: {  	v60 =	vadd.s32 v13, v16;
	_ =	sdelay $0x1  }
0xe7: {  	v17 =	vadd.f32 v59, v17;
	_ =	sdelay $0x1  }
0xe8: {  	v61 =	vld [tilespmem:s31+$0x8550];
	[tilespmem:s31+$0xC540] =	vst v17  }
0xe9: {  	v17 =	vld.idx.msk [tilespmem:v60+s9+$0x0], $0xffff;
	_ =	sdelay $0x2  }
0xea: {  	v62 =	vadd.s32 v14, v16;
	_ =	sdelay $0x1  }
0xeb: {  	v17 =	vadd.f32 v61, v17;
	_ =	sdelay $0x1  }
0xec: {  	v63 =	vld [tilespmem:s31+$0x8560];
	[tilespmem:s31+$0xC550] =	vst v17  }
0xed: {  	v17 =	vld.idx.msk [tilespmem:v62+s9+$0x0], $0xffff;
	_ =	sdelay $0x2  }
0xee: {  	v16 =	vadd.s32 v15, v16;
	_ =	sdelay $0x1  }
0xef: {  	v17 =	vadd.f32 v63, v17;
	_ =	sdelay $0x1  }
0xf0: {  	[tilespmem:s31+$0xC560] =	vst v17;
	v17 =	vld [tilespmem:s31+$0x8570]  }
0xf1: {  	v16 =	vld.idx.msk [tilespmem:v16+s9+$0x0], $0xffff;
	_ =	sdelay $0x4  }
0xf2: {  	s15 =	sadd.s32 $0x1, s15;
	v16 =	vadd.f32 v17, v16  }
0xf3: {  	p0 =	sne.s32 s15, s7  }
.Ltmp1:
0xf4: {  	[tilespmem:s31+$0xC570] =	vst v16;
	(pc) =	sbr.rel @p0 .LBB2_1-.Ltmp1, $4  }
0xf5: {  	[hbm4b:s6+s10] =	stream.strided.scatter [tilespmem:s14], [sflag:$0x2], $0x4000, s11, s10, $0x38;
	[tilespmem:$0x10100] =	vst v63  }
0xf6: {  	_ =	swait.ge [sflag:s8], $0x4000  }
0xf7: {  	[sflag:s8] =	ssyncset.done $0x0  }
0xf8: {  	[sflag:s8] =	ssyncadd.s32 $0xFFFFC000  }
0xf9: {  	_ =	sfence.sel $0x180000  }
0xfa: {  	[bflag:$0x0] =	sbarrier.arrive $0xFFFF  }
0xfb: {  	p0 =	sne.s32 s1, $0x0;
	_ =	strace $0x90000047  }
0xfc: {  	s0 =	sadd.s32 @!p0 $0x100000, s0;
	[bflag:$0x2] =	sbarrier.arrive $0xFFFF  }
0xfd: {  	[sflag:s0] =	ssyncadd.tile.s32 @!p0 $0x1;
	_ =	shalt  }
.Lfunc_end2:
_tile_overlayer_lowered:
.L_overlay_start_2:
0xfe: {  	(tag) =	ssettag $0x2  }
0xff: {  	s0 =	rddreg [dreg:$0x0];
	s2 =	stileid.u32  }
0x100: {  	s1 =	rddreg [dreg:$0x1];
	p0 =	sne.s32 s2, $0x0  }
0x101: {  	s3 =	rddreg [dreg:$0x2];
	[bflag:$0x3] =	sbarrier.arrive $0xFFFF;
	s2 =	simm.s32 @!p0 $0x1C02  }
0x102: {  	[timem:s3], [sflag:s2] =	dma.local @!p0 [hbm:s0], s1  }
0x103: {  	s0 =	simm.s32 @!p0 $0x2  }
0x104: {  	_ =	swait.ge @!p0 [sflag:s0], s1  }
0x105: {  	s1 =	ssub.s32 @!p0 $0x0, s1;
	[sflag:s0] =	ssyncset.done @!p0 $0x0  }
0x106: {  	[sflag:s0] =	ssyncadd.s32 @!p0 s1  }
0x107: {  	[bflag:$0x3] =	sbarrier.arrive $0xFFFF  }
0x108: {  	_ =	shalt  }

</sc_bundles>
